<compile_context>
chip_gen: v7x
topology: tpu7x:2x2x1
jax: 0.10.2.dev20260603
libtpu: 0.0.44.dev20260713+nightly
codegen_flags: <defaults>
</compile_context>

<pallas_src>
import functools

import jax
import jax.numpy as jnp
from jax import lax
from jax.experimental import pallas as pl
from jax.experimental.pallas import tpu as pltpu
from jax.experimental.pallas import tpu_sc as plsc

NUM_WORKERS = 32
CHUNK_V = 16384
PACK = 4


def _transpose_body(x_ref, y_ref):
    x = x_ref[0]
    q = CHUNK_V // PACK
    z = jnp.concatenate([x[:, q * a:q * (a + 1)] for a in range(PACK)], axis=0)
    y_ref[0] = jnp.swapaxes(z, 0, 1)


def _tc_pack_tables(tT, f0, nf):
    _, D, V = tT.shape
    nc = (V + CHUNK_V - 1) // CHUNK_V
    rpf = nc * (CHUNK_V // PACK)
    return pl.pallas_call(
        _transpose_body,
        grid=(nf, nc),
        in_specs=[pl.BlockSpec((1, D, CHUNK_V), lambda f, c: (f + f0, 0, c))],
        out_specs=pl.BlockSpec((1, CHUNK_V // PACK, PACK * D),
                               lambda f, c: (f, c, 0)),
        out_shape=jax.ShapeDtypeStruct((nf, rpf, PACK * D), jnp.float32),
    )(tT)


def _sc_gather(flat_tables, idx, chunk):
    total = idx.shape[0]
    D = flat_tables.shape[1]
    per_w = total // NUM_WORKERS
    n_chunks = per_w // chunk
    mesh = plsc.VectorSubcoreMesh(core_axis_name="c", subcore_axis_name="s")

    @functools.partial(
        pl.kernel,
        mesh=mesh,
        out_type=jax.ShapeDtypeStruct((total, D), jnp.float32),
        compiler_params=pltpu.CompilerParams(use_tc_tiling_on_sc=False),
        scratch_types=[
            pltpu.VMEM((per_w,), jnp.int32),
            pltpu.VMEM((chunk, D), jnp.float32),
            pltpu.VMEM((chunk, D), jnp.float32),
            pltpu.SemaphoreType.DMA,
            pltpu.SemaphoreType.DMA,
        ],
    )
    def gather_kernel(tab_hbm, idx_hbm, out_hbm, idx_v, rows0, rows1, sem0, sem1):
        wid = lax.axis_index("s") * 2 + lax.axis_index("c")
        base = wid * per_w
        pltpu.sync_copy(idx_hbm.at[pl.ds(base, per_w)], idx_v)

        bufs, sems = (rows0, rows1), (sem0, sem1)
        handles = [None] * n_chunks
        handles[0] = pltpu.async_copy(
            tab_hbm.at[idx_v.at[pl.ds(0, chunk)]], bufs[0], sems[0])
        for c in range(n_chunks):
            handles[c].wait()
            if c + 1 < n_chunks:
                handles[c + 1] = pltpu.async_copy(
                    tab_hbm.at[idx_v.at[pl.ds((c + 1) * chunk, chunk)]],
                    bufs[(c + 1) % 2], sems[(c + 1) % 2])
            pltpu.sync_copy(bufs[c % 2],
                            out_hbm.at[pl.ds(base + c * chunk, chunk)])

    return gather_kernel(flat_tables, idx)


def _mlp_body(xg_ref, num_ref, w1e_ref, w1n_ref, b1_ref,
              w2_ref, b2_ref, w3_ref, b3_ref, w4_ref, b4_ref, out_ref):
    h = jnp.dot(xg_ref[...], w1e_ref[...], preferred_element_type=jnp.float32)
    h += jnp.dot(num_ref[...], w1n_ref[...], preferred_element_type=jnp.float32)
    h = jnp.maximum(h + b1_ref[...], 0.0)
    h = jnp.maximum(
        jnp.dot(h, w2_ref[...], preferred_element_type=jnp.float32) + b2_ref[...], 0.0)
    h = jnp.maximum(
        jnp.dot(h, w3_ref[...], preferred_element_type=jnp.float32) + b3_ref[...], 0.0)
    out_ref[...] = jnp.dot(h, w4_ref[...], preferred_element_type=jnp.float32) + b4_ref[...]


def _tc_mlp(xg, num, w1e, w1n, b1, w2, b2, w3, b3, w4, b4, bm):
    B = xg.shape[0]
    grid = (B // bm,)
    full = lambda a: pl.BlockSpec(a.shape, lambda i: (0,) * a.ndim)
    row = lambda a: pl.BlockSpec((bm, a.shape[1]), lambda i: (i, 0))
    out = pl.pallas_call(
        _mlp_body,
        grid=grid,
        in_specs=[
            row(xg), row(num),
            full(w1e), full(w1n), full(b1), full(w2), full(b2),
            full(w3), full(b3), full(w4), full(b4),
        ],
        out_specs=pl.BlockSpec((bm, 1), lambda i: (i, 0)),
        out_shape=jax.ShapeDtypeStruct((B, 1), jnp.float32),
    )(xg, num, w1e, w1n, b1, w2, b2, w3, b3, w4, b4)
    return out[:, 0]


def _packed_idx(cat_slice, rpf):
    nf = cat_slice.shape[1]
    q = CHUNK_V // PACK
    f_base = (jnp.arange(nf, dtype=jnp.int32) * (rpf * PACK))[None, :]
    v = cat_slice
    return (f_base + (v // CHUNK_V) * CHUNK_V + (v % q) * PACK
            + (v % CHUNK_V) // q).reshape(-1)


def kernel(cat_data, num_data, tables, W1, b1, W2, b2, W3, b3, W4, b4):
    B, NF = cat_data.shape
    V, D = tables.shape[1], tables.shape[2]
    tT = jnp.swapaxes(tables, 1, 2)

    packed = _tc_pack_tables(tT, 0, NF)
    rpf = packed.shape[1]
    flat = packed.reshape(NF * rpf * PACK, D)

    idx = _packed_idx(cat_data, rpf)

    g = _sc_gather(flat, idx, chunk=1664)
    xg = g.reshape(B, NF * D)

    e1 = NF * D
    return _tc_mlp(
        xg, num_data,
        W1[:e1], W1[e1:],
        b1.reshape(1, -1), W2, b2.reshape(1, -1),
        W3, b3.reshape(1, -1), W4, b4.reshape(1, -1),
        bm=2048,
    )

# --- scband reference (transcript-rebuilt; emitter-appended) ---
"""Pipeline reference for scband-recommender-net-17995912970404 (READ-ONLY COPY).

The authoritative reference and input builder live on the scoring server;
editing this copy changes nothing except your own understanding.
"""

import jax, jax.numpy as jnp
import numpy as np

NF = 26
V = 100000
D = 32
B = 16384
NUM = 13
IN_DIM = NF * D + NUM


def setup_inputs(seed: int = 0) -> dict:
    key = jax.random.key(seed)
    ks = jax.random.split(key, 12)
    cat_data = jax.random.randint(ks[0], (B, NF), 0, V, dtype=jnp.int32)
    num_data = jax.random.normal(ks[1], (B, NUM), dtype=jnp.float32)
    tables = jax.random.normal(ks[2], (NF, V, D), dtype=jnp.float32) * 0.01
    W1 = jax.random.normal(ks[3], (IN_DIM, 128), dtype=jnp.float32) * 0.02
    b1 = jnp.zeros((128,), dtype=jnp.float32)
    W2 = jax.random.normal(ks[4], (128, 64), dtype=jnp.float32) * 0.05
    b2 = jnp.zeros((64,), dtype=jnp.float32)
    W3 = jax.random.normal(ks[5], (64, 32), dtype=jnp.float32) * 0.05
    b3 = jnp.zeros((32,), dtype=jnp.float32)
    W4 = jax.random.normal(ks[6], (32, 1), dtype=jnp.float32) * 0.05
    b4 = jnp.zeros((1,), dtype=jnp.float32)
    return {"cat_data": cat_data, "num_data": num_data, "tables": tables,
            "W1": W1, "b1": b1, "W2": W2, "b2": b2, "W3": W3, "b3": b3, "W4": W4, "b4": b4}


def reference(cat_data, num_data, tables, W1, b1, W2, b2, W3, b3, W4, b4):
    # per-field embedding lookup: tables[f, cat_data[:, f]] for each field f
    field_idx = jnp.arange(NF, dtype=cat_data.dtype)[None, :]  # [1, NF]
    emb = tables[field_idx, cat_data]  # [B, NF, D]
    x = jnp.concatenate([emb.reshape(cat_data.shape[0], NF * D), num_data], axis=1)
    h = jax.nn.relu(x @ W1 + b1)
    h = jax.nn.relu(h @ W2 + b2)
    h = jax.nn.relu(h @ W3 + b3)
    out = (h @ W4 + b4)
    return out.squeeze(1)

if __name__ == "__main__":
    import jax
    _d = setup_inputs()
    print(jax.jit(kernel)(*tuple(_d.values())))

</pallas_src>

<mosaic_0001>
#map = affine_map<(d0, d1) -> (0, 0)>
#map1 = affine_map<(d0, d1) -> (0)>
module attributes {stable_mosaic.version = 14 : i64} {
  func.func @gather_kernel(%arg0: i32, %arg1: i32, %arg2: memref<2981888x32xf32, #tpu.memory_space<hbm>>, %arg3: memref<425984xi32, #tpu.memory_space<hbm>>, %arg4: memref<425984x32xf32, #tpu.memory_space<hbm>>, %arg5: memref<13312xi32, #tpu.memory_space<vmem>>, %arg6: memref<1664x32xf32, #tpu.memory_space<vmem>>, %arg7: memref<1664x32xf32, #tpu.memory_space<vmem>>, %arg8: memref<!tpu.dma_semaphore, #tpu.memory_space<semaphore_mem>>, %arg9: memref<!tpu.dma_semaphore, #tpu.memory_space<semaphore_mem>>) attributes {dimension_semantics = [#tpu.dimension_semantics<core_parallel>, #tpu.dimension_semantics<subcore_parallel>], iteration_bounds = array<i64: 2, 16>, scalar_prefetch = 0 : i64, scratch_operands = 5 : i64, tpu.core_type = #tpu.core_type<sc_vector_subcore>, window_params = [{transform_indices = #map}, {transform_indices = #map1}, {transform_indices = #map}]} {
    %mul3A = arith.constant 2 : i32
    %mul3A_0 = arith.muli %arg1, %mul3A : i32
    %add3A = arith.addi %mul3A_0, %arg0 : i32
    %mul3A_1 = arith.constant 13312 : i32
    %mul3A_2 = arith.muli %add3A, %mul3A_1 : i32
    "tpu.region"() ({
      %run_scoped3A = tpu.sem_alloc : memref<!tpu.dma_semaphore, #tpu.memory_space<semaphore_mem>>
      %dma_start3A_97 = tpu.memref_slice %arg3[%mul3A_2] : memref<425984xi32, #tpu.memory_space<hbm>> -> memref<13312xi32, #tpu.memory_space<hbm>>
      %dma_start3A_98 = tpu.memref_slice %arg3[%mul3A_2] : memref<425984xi32, #tpu.memory_space<hbm>> -> memref<13312xi32, #tpu.memory_space<hbm>>
      tpu.enqueue_dma source(%dma_start3A_98 : memref<13312xi32, #tpu.memory_space<hbm>>) target(%arg5 : memref<13312xi32, #tpu.memory_space<vmem>>) target_semaphore(%run_scoped3A : memref<!tpu.dma_semaphore, #tpu.memory_space<semaphore_mem>>)
      %dma_wait3A_99 = tpu.memref_slice %arg3[%mul3A_2] : memref<425984xi32, #tpu.memory_space<hbm>> -> memref<13312xi32, #tpu.memory_space<hbm>>
      %dma_wait3A_100 = tpu.memref_slice %arg3[%mul3A_2] : memref<425984xi32, #tpu.memory_space<hbm>> -> memref<13312xi32, #tpu.memory_space<hbm>>
      tpu.wait_dma2 semaphore(%run_scoped3A : memref<!tpu.dma_semaphore, #tpu.memory_space<semaphore_mem>>) src(%dma_wait3A_100 : memref<13312xi32, #tpu.memory_space<hbm>>) dst(%arg5 : memref<13312xi32, #tpu.memory_space<vmem>>)
      tpu.yield
    }) : () -> ()
    %dma_start3A = arith.constant 0 : i32
    %dma_start3A_3 = tpu.memref_slice %arg5[%dma_start3A] : memref<13312xi32, #tpu.memory_space<vmem>> -> memref<1664xi32, #tpu.memory_space<vmem>>
    %dma_start3A_4 = arith.constant 0 : i32
    %dma_start3A_5 = arith.constant 0 : i32
    %dma_start3A_6 = tpu.memref_slice %arg2[%dma_start3A_4, %dma_start3A_5] : memref<2981888x32xf32, #tpu.memory_space<hbm>> -> memref<2981888x32xf32, #tpu.memory_space<hbm>>
    tpu.enqueue_indirect_dma source(%dma_start3A_6 : memref<2981888x32xf32, #tpu.memory_space<hbm>>) target(%arg6 : memref<1664x32xf32, #tpu.memory_space<vmem>>) offsets(%dma_start3A_3 : memref<1664xi32, #tpu.memory_space<vmem>>) semaphore(%arg8 : memref<!tpu.dma_semaphore, #tpu.memory_space<semaphore_mem>>)
    %dma_wait3A = arith.constant 0 : i32
    %dma_wait3A_7 = tpu.memref_slice %arg5[%dma_wait3A] : memref<13312xi32, #tpu.memory_space<vmem>> -> memref<1664xi32, #tpu.memory_space<vmem>>
    %dma_wait3A_8 = arith.constant 0 : i32
    %dma_wait3A_9 = arith.constant 0 : i32
    %dma_wait3A_10 = tpu.memref_slice %arg2[%dma_wait3A_8, %dma_wait3A_9] : memref<2981888x32xf32, #tpu.memory_space<hbm>> -> memref<2981888x32xf32, #tpu.memory_space<hbm>>
    tpu.wait_indirect_dma semaphore(%arg8 : memref<!tpu.dma_semaphore, #tpu.memory_space<semaphore_mem>>) src(%dma_wait3A_10 : memref<2981888x32xf32, #tpu.memory_space<hbm>>) dst(%arg6 : memref<1664x32xf32, #tpu.memory_space<vmem>>)
    %dma_start3A_11 = arith.constant 1664 : i32
    %dma_start3A_12 = tpu.memref_slice %arg5[%dma_start3A_11] : memref<13312xi32, #tpu.memory_space<vmem>> -> memref<1664xi32, #tpu.memory_space<vmem>>
    %dma_start3A_13 = arith.constant 0 : i32
    %dma_start3A_14 = arith.constant 0 : i32
    %dma_start3A_15 = tpu.memref_slice %arg2[%dma_start3A_13, %dma_start3A_14] : memref<2981888x32xf32, #tpu.memory_space<hbm>> -> memref<2981888x32xf32, #tpu.memory_space<hbm>>
    tpu.enqueue_indirect_dma source(%dma_start3A_15 : memref<2981888x32xf32, #tpu.memory_space<hbm>>) target(%arg7 : memref<1664x32xf32, #tpu.memory_space<vmem>>) offsets(%dma_start3A_12 : memref<1664xi32, #tpu.memory_space<vmem>>) semaphore(%arg9 : memref<!tpu.dma_semaphore, #tpu.memory_space<semaphore_mem>>)
    %add3A_16 = arith.constant 0 : i32
    %add3A_17 = arith.addi %mul3A_2, %add3A_16 : i32
    "tpu.region"() ({
      %run_scoped3A = tpu.sem_alloc : memref<!tpu.dma_semaphore, #tpu.memory_space<semaphore_mem>>
      %dma_start3A_97 = arith.constant 0 : i32
      %dma_start3A_98 = tpu.memref_slice %arg4[%add3A_17, %dma_start3A_97] : memref<425984x32xf32, #tpu.memory_space<hbm>> -> memref<1664x32xf32, #tpu.memory_space<hbm>>
      %dma_start3A_99 = arith.constant 0 : i32
      %dma_start3A_100 = tpu.memref_slice %arg4[%add3A_17, %dma_start3A_99] : memref<425984x32xf32, #tpu.memory_space<hbm>> -> memref<1664x32xf32, #tpu.memory_space<hbm>>
      tpu.enqueue_dma source(%arg6 : memref<1664x32xf32, #tpu.memory_space<vmem>>) target(%dma_start3A_100 : memref<1664x32xf32, #tpu.memory_space<hbm>>) target_semaphore(%run_scoped3A : memref<!tpu.dma_semaphore, #tpu.memory_space<semaphore_mem>>)
      %dma_wait3A_101 = arith.constant 0 : i32
      %dma_wait3A_102 = tpu.memref_slice %arg4[%add3A_17, %dma_wait3A_101] : memref<425984x32xf32, #tpu.memory_space<hbm>> -> memref<1664x32xf32, #tpu.memory_space<hbm>>
      %dma_wait3A_103 = arith.constant 0 : i32
      %dma_wait3A_104 = tpu.memref_slice %arg4[%add3A_17, %dma_wait3A_103] : memref<425984x32xf32, #tpu.memory_space<hbm>> -> memref<1664x32xf32, #tpu.memory_space<hbm>>
      tpu.wait_dma2 semaphore(%run_scoped3A : memref<!tpu.dma_semaphore, #tpu.memory_space<semaphore_mem>>) src(%arg6 : memref<1664x32xf32, #tpu.memory_space<vmem>>) dst(%dma_wait3A_104 : memref<1664x32xf32, #tpu.memory_space<hbm>>)
      tpu.yield
    }) : () -> ()
    %dma_wait3A_18 = arith.constant 1664 : i32
    %dma_wait3A_19 = tpu.memref_slice %arg5[%dma_wait3A_18] : memref<13312xi32, #tpu.memory_space<vmem>> -> memref<1664xi32, #tpu.memory_space<vmem>>
    %dma_wait3A_20 = arith.constant 0 : i32
    %dma_wait3A_21 = arith.constant 0 : i32
    %dma_wait3A_22 = tpu.memref_slice %arg2[%dma_wait3A_20, %dma_wait3A_21] : memref<2981888x32xf32, #tpu.memory_space<hbm>> -> memref<2981888x32xf32, #tpu.memory_space<hbm>>
    tpu.wait_indirect_dma semaphore(%arg9 : memref<!tpu.dma_semaphore, #tpu.memory_space<semaphore_mem>>) src(%dma_wait3A_22 : memref<2981888x32xf32, #tpu.memory_space<hbm>>) dst(%arg7 : memref<1664x32xf32, #tpu.memory_space<vmem>>)
    %dma_start3A_23 = arith.constant 3328 : i32
    %dma_start3A_24 = tpu.memref_slice %arg5[%dma_start3A_23] : memref<13312xi32, #tpu.memory_space<vmem>> -> memref<1664xi32, #tpu.memory_space<vmem>>
    %dma_start3A_25 = arith.constant 0 : i32
    %dma_start3A_26 = arith.constant 0 : i32
    %dma_start3A_27 = tpu.memref_slice %arg2[%dma_start3A_25, %dma_start3A_26] : memref<2981888x32xf32, #tpu.memory_space<hbm>> -> memref<2981888x32xf32, #tpu.memory_space<hbm>>
    tpu.enqueue_indirect_dma source(%dma_start3A_27 : memref<2981888x32xf32, #tpu.memory_space<hbm>>) target(%arg6 : memref<1664x32xf32, #tpu.memory_space<vmem>>) offsets(%dma_start3A_24 : memref<1664xi32, #tpu.memory_space<vmem>>) semaphore(%arg8 : memref<!tpu.dma_semaphore, #tpu.memory_space<semaphore_mem>>)
    %add3A_28 = arith.constant 1664 : i32
    %add3A_29 = arith.addi %mul3A_2, %add3A_28 : i32
    "tpu.region"() ({
      %run_scoped3A = tpu.sem_alloc : memref<!tpu.dma_semaphore, #tpu.memory_space<semaphore_mem>>
      %dma_start3A_97 = arith.constant 0 : i32
      %dma_start3A_98 = tpu.memref_slice %arg4[%add3A_29, %dma_start3A_97] : memref<425984x32xf32, #tpu.memory_space<hbm>> -> memref<1664x32xf32, #tpu.memory_space<hbm>>
      %dma_start3A_99 = arith.constant 0 : i32
      %dma_start3A_100 = tpu.memref_slice %arg4[%add3A_29, %dma_start3A_99] : memref<425984x32xf32, #tpu.memory_space<hbm>> -> memref<1664x32xf32, #tpu.memory_space<hbm>>
      tpu.enqueue_dma source(%arg7 : memref<1664x32xf32, #tpu.memory_space<vmem>>) target(%dma_start3A_100 : memref<1664x32xf32, #tpu.memory_space<hbm>>) target_semaphore(%run_scoped3A : memref<!tpu.dma_semaphore, #tpu.memory_space<semaphore_mem>>)
      %dma_wait3A_101 = arith.constant 0 : i32
      %dma_wait3A_102 = tpu.memref_slice %arg4[%add3A_29, %dma_wait3A_101] : memref<425984x32xf32, #tpu.memory_space<hbm>> -> memref<1664x32xf32, #tpu.memory_space<hbm>>
      %dma_wait3A_103 = arith.constant 0 : i32
      %dma_wait3A_104 = tpu.memref_slice %arg4[%add3A_29, %dma_wait3A_103] : memref<425984x32xf32, #tpu.memory_space<hbm>> -> memref<1664x32xf32, #tpu.memory_space<hbm>>
      tpu.wait_dma2 semaphore(%run_scoped3A : memref<!tpu.dma_semaphore, #tpu.memory_space<semaphore_mem>>) src(%arg7 : memref<1664x32xf32, #tpu.memory_space<vmem>>) dst(%dma_wait3A_104 : memref<1664x32xf32, #tpu.memory_space<hbm>>)
      tpu.yield
    }) : () -> ()
    %dma_wait3A_30 = arith.constant 3328 : i32
    %dma_wait3A_31 = tpu.memref_slice %arg5[%dma_wait3A_30] : memref<13312xi32, #tpu.memory_space<vmem>> -> memref<1664xi32, #tpu.memory_space<vmem>>
    %dma_wait3A_32 = arith.constant 0 : i32
    %dma_wait3A_33 = arith.constant 0 : i32
    %dma_wait3A_34 = tpu.memref_slice %arg2[%dma_wait3A_32, %dma_wait3A_33] : memref<2981888x32xf32, #tpu.memory_space<hbm>> -> memref<2981888x32xf32, #tpu.memory_space<hbm>>
    tpu.wait_indirect_dma semaphore(%arg8 : memref<!tpu.dma_semaphore, #tpu.memory_space<semaphore_mem>>) src(%dma_wait3A_34 : memref<2981888x32xf32, #tpu.memory_space<hbm>>) dst(%arg6 : memref<1664x32xf32, #tpu.memory_space<vmem>>)
    %dma_start3A_35 = arith.constant 4992 : i32
    %dma_start3A_36 = tpu.memref_slice %arg5[%dma_start3A_35] : memref<13312xi32, #tpu.memory_space<vmem>> -> memref<1664xi32, #tpu.memory_space<vmem>>
    %dma_start3A_37 = arith.constant 0 : i32
    %dma_start3A_38 = arith.constant 0 : i32
    %dma_start3A_39 = tpu.memref_slice %arg2[%dma_start3A_37, %dma_start3A_38] : memref<2981888x32xf32, #tpu.memory_space<hbm>> -> memref<2981888x32xf32, #tpu.memory_space<hbm>>
    tpu.enqueue_indirect_dma source(%dma_start3A_39 : memref<2981888x32xf32, #tpu.memory_space<hbm>>) target(%arg7 : memref<1664x32xf32, #tpu.memory_space<vmem>>) offsets(%dma_start3A_36 : memref<1664xi32, #tpu.memory_space<vmem>>) semaphore(%arg9 : memref<!tpu.dma_semaphore, #tpu.memory_space<semaphore_mem>>)
    %add3A_40 = arith.constant 3328 : i32
    %add3A_41 = arith.addi %mul3A_2, %add3A_40 : i32
    "tpu.region"() ({
      %run_scoped3A = tpu.sem_alloc : memref<!tpu.dma_semaphore, #tpu.memory_space<semaphore_mem>>
      %dma_start3A_97 = arith.constant 0 : i32
      %dma_start3A_98 = tpu.memref_slice %arg4[%add3A_41, %dma_start3A_97] : memref<425984x32xf32, #tpu.memory_space<hbm>> -> memref<1664x32xf32, #tpu.memory_space<hbm>>
      %dma_start3A_99 = arith.constant 0 : i32
      %dma_start3A_100 = tpu.memref_slice %arg4[%add3A_41, %dma_start3A_99] : memref<425984x32xf32, #tpu.memory_space<hbm>> -> memref<1664x32xf32, #tpu.memory_space<hbm>>
      tpu.enqueue_dma source(%arg6 : memref<1664x32xf32, #tpu.memory_space<vmem>>) target(%dma_start3A_100 : memref<1664x32xf32, #tpu.memory_space<hbm>>) target_semaphore(%run_scoped3A : memref<!tpu.dma_semaphore, #tpu.memory_space<semaphore_mem>>)
      %dma_wait3A_101 = arith.constant 0 : i32
      %dma_wait3A_102 = tpu.memref_slice %arg4[%add3A_41, %dma_wait3A_101] : memref<425984x32xf32, #tpu.memory_space<hbm>> -> memref<1664x32xf32, #tpu.memory_space<hbm>>
      %dma_wait3A_103 = arith.constant 0 : i32
      %dma_wait3A_104 = tpu.memref_slice %arg4[%add3A_41, %dma_wait3A_103] : memref<425984x32xf32, #tpu.memory_space<hbm>> -> memref<1664x32xf32, #tpu.memory_space<hbm>>
      tpu.wait_dma2 semaphore(%run_scoped3A : memref<!tpu.dma_semaphore, #tpu.memory_space<semaphore_mem>>) src(%arg6 : memref<1664x32xf32, #tpu.memory_space<vmem>>) dst(%dma_wait3A_104 : memref<1664x32xf32, #tpu.memory_space<hbm>>)
      tpu.yield
    }) : () -> ()
    %dma_wait3A_42 = arith.constant 4992 : i32
    %dma_wait3A_43 = tpu.memref_slice %arg5[%dma_wait3A_42] : memref<13312xi32, #tpu.memory_space<vmem>> -> memref<1664xi32, #tpu.memory_space<vmem>>
    %dma_wait3A_44 = arith.constant 0 : i32
    %dma_wait3A_45 = arith.constant 0 : i32
    %dma_wait3A_46 = tpu.memref_slice %arg2[%dma_wait3A_44, %dma_wait3A_45] : memref<2981888x32xf32, #tpu.memory_space<hbm>> -> memref<2981888x32xf32, #tpu.memory_space<hbm>>
    tpu.wait_indirect_dma semaphore(%arg9 : memref<!tpu.dma_semaphore, #tpu.memory_space<semaphore_mem>>) src(%dma_wait3A_46 : memref<2981888x32xf32, #tpu.memory_space<hbm>>) dst(%arg7 : memref<1664x32xf32, #tpu.memory_space<vmem>>)
    %dma_start3A_47 = arith.constant 6656 : i32
    %dma_start3A_48 = tpu.memref_slice %arg5[%dma_start3A_47] : memref<13312xi32, #tpu.memory_space<vmem>> -> memref<1664xi32, #tpu.memory_space<vmem>>
    %dma_start3A_49 = arith.constant 0 : i32
    %dma_start3A_50 = arith.constant 0 : i32
    %dma_start3A_51 = tpu.memref_slice %arg2[%dma_start3A_49, %dma_start3A_50] : memref<2981888x32xf32, #tpu.memory_space<hbm>> -> memref<2981888x32xf32, #tpu.memory_space<hbm>>
    tpu.enqueue_indirect_dma source(%dma_start3A_51 : memref<2981888x32xf32, #tpu.memory_space<hbm>>) target(%arg6 : memref<1664x32xf32, #tpu.memory_space<vmem>>) offsets(%dma_start3A_48 : memref<1664xi32, #tpu.memory_space<vmem>>) semaphore(%arg8 : memref<!tpu.dma_semaphore, #tpu.memory_space<semaphore_mem>>)
    %add3A_52 = arith.constant 4992 : i32
    %add3A_53 = arith.addi %mul3A_2, %add3A_52 : i32
    "tpu.region"() ({
      %run_scoped3A = tpu.sem_alloc : memref<!tpu.dma_semaphore, #tpu.memory_space<semaphore_mem>>
      %dma_start3A_97 = arith.constant 0 : i32
      %dma_start3A_98 = tpu.memref_slice %arg4[%add3A_53, %dma_start3A_97] : memref<425984x32xf32, #tpu.memory_space<hbm>> -> memref<1664x32xf32, #tpu.memory_space<hbm>>
      %dma_start3A_99 = arith.constant 0 : i32
      %dma_start3A_100 = tpu.memref_slice %arg4[%add3A_53, %dma_start3A_99] : memref<425984x32xf32, #tpu.memory_space<hbm>> -> memref<1664x32xf32, #tpu.memory_space<hbm>>
      tpu.enqueue_dma source(%arg7 : memref<1664x32xf32, #tpu.memory_space<vmem>>) target(%dma_start3A_100 : memref<1664x32xf32, #tpu.memory_space<hbm>>) target_semaphore(%run_scoped3A : memref<!tpu.dma_semaphore, #tpu.memory_space<semaphore_mem>>)
      %dma_wait3A_101 = arith.constant 0 : i32
      %dma_wait3A_102 = tpu.memref_slice %arg4[%add3A_53, %dma_wait3A_101] : memref<425984x32xf32, #tpu.memory_space<hbm>> -> memref<1664x32xf32, #tpu.memory_space<hbm>>
      %dma_wait3A_103 = arith.constant 0 : i32
      %dma_wait3A_104 = tpu.memref_slice %arg4[%add3A_53, %dma_wait3A_103] : memref<425984x32xf32, #tpu.memory_space<hbm>> -> memref<1664x32xf32, #tpu.memory_space<hbm>>
      tpu.wait_dma2 semaphore(%run_scoped3A : memref<!tpu.dma_semaphore, #tpu.memory_space<semaphore_mem>>) src(%arg7 : memref<1664x32xf32, #tpu.memory_space<vmem>>) dst(%dma_wait3A_104 : memref<1664x32xf32, #tpu.memory_space<hbm>>)
      tpu.yield
    }) : () -> ()
    %dma_wait3A_54 = arith.constant 6656 : i32
    %dma_wait3A_55 = tpu.memref_slice %arg5[%dma_wait3A_54] : memref<13312xi32, #tpu.memory_space<vmem>> -> memref<1664xi32, #tpu.memory_space<vmem>>
    %dma_wait3A_56 = arith.constant 0 : i32
    %dma_wait3A_57 = arith.constant 0 : i32
    %dma_wait3A_58 = tpu.memref_slice %arg2[%dma_wait3A_56, %dma_wait3A_57] : memref<2981888x32xf32, #tpu.memory_space<hbm>> -> memref<2981888x32xf32, #tpu.memory_space<hbm>>
    tpu.wait_indirect_dma semaphore(%arg8 : memref<!tpu.dma_semaphore, #tpu.memory_space<semaphore_mem>>) src(%dma_wait3A_58 : memref<2981888x32xf32, #tpu.memory_space<hbm>>) dst(%arg6 : memref<1664x32xf32, #tpu.memory_space<vmem>>)
    %dma_start3A_59 = arith.constant 8320 : i32
    %dma_start3A_60 = tpu.memref_slice %arg5[%dma_start3A_59] : memref<13312xi32, #tpu.memory_space<vmem>> -> memref<1664xi32, #tpu.memory_space<vmem>>
    %dma_start3A_61 = arith.constant 0 : i32
    %dma_start3A_62 = arith.constant 0 : i32
    %dma_start3A_63 = tpu.memref_slice %arg2[%dma_start3A_61, %dma_start3A_62] : memref<2981888x32xf32, #tpu.memory_space<hbm>> -> memref<2981888x32xf32, #tpu.memory_space<hbm>>
    tpu.enqueue_indirect_dma source(%dma_start3A_63 : memref<2981888x32xf32, #tpu.memory_space<hbm>>) target(%arg7 : memref<1664x32xf32, #tpu.memory_space<vmem>>) offsets(%dma_start3A_60 : memref<1664xi32, #tpu.memory_space<vmem>>) semaphore(%arg9 : memref<!tpu.dma_semaphore, #tpu.memory_space<semaphore_mem>>)
    %add3A_64 = arith.constant 6656 : i32
    %add3A_65 = arith.addi %mul3A_2, %add3A_64 : i32
    "tpu.region"() ({
      %run_scoped3A = tpu.sem_alloc : memref<!tpu.dma_semaphore, #tpu.memory_space<semaphore_mem>>
      %dma_start3A_97 = arith.constant 0 : i32
      %dma_start3A_98 = tpu.memref_slice %arg4[%add3A_65, %dma_start3A_97] : memref<425984x32xf32, #tpu.memory_space<hbm>> -> memref<1664x32xf32, #tpu.memory_space<hbm>>
      %dma_start3A_99 = arith.constant 0 : i32
      %dma_start3A_100 = tpu.memref_slice %arg4[%add3A_65, %dma_start3A_99] : memref<425984x32xf32, #tpu.memory_space<hbm>> -> memref<1664x32xf32, #tpu.memory_space<hbm>>
      tpu.enqueue_dma source(%arg6 : memref<1664x32xf32, #tpu.memory_space<vmem>>) target(%dma_start3A_100 : memref<1664x32xf32, #tpu.memory_space<hbm>>) target_semaphore(%run_scoped3A : memref<!tpu.dma_semaphore, #tpu.memory_space<semaphore_mem>>)
      %dma_wait3A_101 = arith.constant 0 : i32
      %dma_wait3A_102 = tpu.memref_slice %arg4[%add3A_65, %dma_wait3A_101] : memref<425984x32xf32, #tpu.memory_space<hbm>> -> memref<1664x32xf32, #tpu.memory_space<hbm>>
      %dma_wait3A_103 = arith.constant 0 : i32
      %dma_wait3A_104 = tpu.memref_slice %arg4[%add3A_65, %dma_wait3A_103] : memref<425984x32xf32, #tpu.memory_space<hbm>> -> memref<1664x32xf32, #tpu.memory_space<hbm>>
      tpu.wait_dma2 semaphore(%run_scoped3A : memref<!tpu.dma_semaphore, #tpu.memory_space<semaphore_mem>>) src(%arg6 : memref<1664x32xf32, #tpu.memory_space<vmem>>) dst(%dma_wait3A_104 : memref<1664x32xf32, #tpu.memory_space<hbm>>)
      tpu.yield
    }) : () -> ()
    %dma_wait3A_66 = arith.constant 8320 : i32
    %dma_wait3A_67 = tpu.memref_slice %arg5[%dma_wait3A_66] : memref<13312xi32, #tpu.memory_space<vmem>> -> memref<1664xi32, #tpu.memory_space<vmem>>
    %dma_wait3A_68 = arith.constant 0 : i32
    %dma_wait3A_69 = arith.constant 0 : i32
    %dma_wait3A_70 = tpu.memref_slice %arg2[%dma_wait3A_68, %dma_wait3A_69] : memref<2981888x32xf32, #tpu.memory_space<hbm>> -> memref<2981888x32xf32, #tpu.memory_space<hbm>>
    tpu.wait_indirect_dma semaphore(%arg9 : memref<!tpu.dma_semaphore, #tpu.memory_space<semaphore_mem>>) src(%dma_wait3A_70 : memref<2981888x32xf32, #tpu.memory_space<hbm>>) dst(%arg7 : memref<1664x32xf32, #tpu.memory_space<vmem>>)
    %dma_start3A_71 = arith.constant 9984 : i32
    %dma_start3A_72 = tpu.memref_slice %arg5[%dma_start3A_71] : memref<13312xi32, #tpu.memory_space<vmem>> -> memref<1664xi32, #tpu.memory_space<vmem>>
    %dma_start3A_73 = arith.constant 0 : i32
    %dma_start3A_74 = arith.constant 0 : i32
    %dma_start3A_75 = tpu.memref_slice %arg2[%dma_start3A_73, %dma_start3A_74] : memref<2981888x32xf32, #tpu.memory_space<hbm>> -> memref<2981888x32xf32, #tpu.memory_space<hbm>>
    tpu.enqueue_indirect_dma source(%dma_start3A_75 : memref<2981888x32xf32, #tpu.memory_space<hbm>>) target(%arg6 : memref<1664x32xf32, #tpu.memory_space<vmem>>) offsets(%dma_start3A_72 : memref<1664xi32, #tpu.memory_space<vmem>>) semaphore(%arg8 : memref<!tpu.dma_semaphore, #tpu.memory_space<semaphore_mem>>)
    %add3A_76 = arith.constant 8320 : i32
    %add3A_77 = arith.addi %mul3A_2, %add3A_76 : i32
    "tpu.region"() ({
      %run_scoped3A = tpu.sem_alloc : memref<!tpu.dma_semaphore, #tpu.memory_space<semaphore_mem>>
      %dma_start3A_97 = arith.constant 0 : i32
      %dma_start3A_98 = tpu.memref_slice %arg4[%add3A_77, %dma_start3A_97] : memref<425984x32xf32, #tpu.memory_space<hbm>> -> memref<1664x32xf32, #tpu.memory_space<hbm>>
      %dma_start3A_99 = arith.constant 0 : i32
      %dma_start3A_100 = tpu.memref_slice %arg4[%add3A_77, %dma_start3A_99] : memref<425984x32xf32, #tpu.memory_space<hbm>> -> memref<1664x32xf32, #tpu.memory_space<hbm>>
      tpu.enqueue_dma source(%arg7 : memref<1664x32xf32, #tpu.memory_space<vmem>>) target(%dma_start3A_100 : memref<1664x32xf32, #tpu.memory_space<hbm>>) target_semaphore(%run_scoped3A : memref<!tpu.dma_semaphore, #tpu.memory_space<semaphore_mem>>)
      %dma_wait3A_101 = arith.constant 0 : i32
      %dma_wait3A_102 = tpu.memref_slice %arg4[%add3A_77, %dma_wait3A_101] : memref<425984x32xf32, #tpu.memory_space<hbm>> -> memref<1664x32xf32, #tpu.memory_space<hbm>>
      %dma_wait3A_103 = arith.constant 0 : i32
      %dma_wait3A_104 = tpu.memref_slice %arg4[%add3A_77, %dma_wait3A_103] : memref<425984x32xf32, #tpu.memory_space<hbm>> -> memref<1664x32xf32, #tpu.memory_space<hbm>>
      tpu.wait_dma2 semaphore(%run_scoped3A : memref<!tpu.dma_semaphore, #tpu.memory_space<semaphore_mem>>) src(%arg7 : memref<1664x32xf32, #tpu.memory_space<vmem>>) dst(%dma_wait3A_104 : memref<1664x32xf32, #tpu.memory_space<hbm>>)
      tpu.yield
    }) : () -> ()
    %dma_wait3A_78 = arith.constant 9984 : i32
    %dma_wait3A_79 = tpu.memref_slice %arg5[%dma_wait3A_78] : memref<13312xi32, #tpu.memory_space<vmem>> -> memref<1664xi32, #tpu.memory_space<vmem>>
    %dma_wait3A_80 = arith.constant 0 : i32
    %dma_wait3A_81 = arith.constant 0 : i32
    %dma_wait3A_82 = tpu.memref_slice %arg2[%dma_wait3A_80, %dma_wait3A_81] : memref<2981888x32xf32, #tpu.memory_space<hbm>> -> memref<2981888x32xf32, #tpu.memory_space<hbm>>
    tpu.wait_indirect_dma semaphore(%arg8 : memref<!tpu.dma_semaphore, #tpu.memory_space<semaphore_mem>>) src(%dma_wait3A_82 : memref<2981888x32xf32, #tpu.memory_space<hbm>>) dst(%arg6 : memref<1664x32xf32, #tpu.memory_space<vmem>>)
    %dma_start3A_83 = arith.constant 11648 : i32
    %dma_start3A_84 = tpu.memref_slice %arg5[%dma_start3A_83] : memref<13312xi32, #tpu.memory_space<vmem>> -> memref<1664xi32, #tpu.memory_space<vmem>>
    %dma_start3A_85 = arith.constant 0 : i32
    %dma_start3A_86 = arith.constant 0 : i32
    %dma_start3A_87 = tpu.memref_slice %arg2[%dma_start3A_85, %dma_start3A_86] : memref<2981888x32xf32, #tpu.memory_space<hbm>> -> memref<2981888x32xf32, #tpu.memory_space<hbm>>
    tpu.enqueue_indirect_dma source(%dma_start3A_87 : memref<2981888x32xf32, #tpu.memory_space<hbm>>) target(%arg7 : memref<1664x32xf32, #tpu.memory_space<vmem>>) offsets(%dma_start3A_84 : memref<1664xi32, #tpu.memory_space<vmem>>) semaphore(%arg9 : memref<!tpu.dma_semaphore, #tpu.memory_space<semaphore_mem>>)
    %add3A_88 = arith.constant 9984 : i32
    %add3A_89 = arith.addi %mul3A_2, %add3A_88 : i32
    "tpu.region"() ({
      %run_scoped3A = tpu.sem_alloc : memref<!tpu.dma_semaphore, #tpu.memory_space<semaphore_mem>>
      %dma_start3A_97 = arith.constant 0 : i32
      %dma_start3A_98 = tpu.memref_slice %arg4[%add3A_89, %dma_start3A_97] : memref<425984x32xf32, #tpu.memory_space<hbm>> -> memref<1664x32xf32, #tpu.memory_space<hbm>>
      %dma_start3A_99 = arith.constant 0 : i32
      %dma_start3A_100 = tpu.memref_slice %arg4[%add3A_89, %dma_start3A_99] : memref<425984x32xf32, #tpu.memory_space<hbm>> -> memref<1664x32xf32, #tpu.memory_space<hbm>>
      tpu.enqueue_dma source(%arg6 : memref<1664x32xf32, #tpu.memory_space<vmem>>) target(%dma_start3A_100 : memref<1664x32xf32, #tpu.memory_space<hbm>>) target_semaphore(%run_scoped3A : memref<!tpu.dma_semaphore, #tpu.memory_space<semaphore_mem>>)
      %dma_wait3A_101 = arith.constant 0 : i32
      %dma_wait3A_102 = tpu.memref_slice %arg4[%add3A_89, %dma_wait3A_101] : memref<425984x32xf32, #tpu.memory_space<hbm>> -> memref<1664x32xf32, #tpu.memory_space<hbm>>
      %dma_wait3A_103 = arith.constant 0 : i32
      %dma_wait3A_104 = tpu.memref_slice %arg4[%add3A_89, %dma_wait3A_103] : memref<425984x32xf32, #tpu.memory_space<hbm>> -> memref<1664x32xf32, #tpu.memory_space<hbm>>
      tpu.wait_dma2 semaphore(%run_scoped3A : memref<!tpu.dma_semaphore, #tpu.memory_space<semaphore_mem>>) src(%arg6 : memref<1664x32xf32, #tpu.memory_space<vmem>>) dst(%dma_wait3A_104 : memref<1664x32xf32, #tpu.memory_space<hbm>>)
      tpu.yield
    }) : () -> ()
    %dma_wait3A_90 = arith.constant 11648 : i32
    %dma_wait3A_91 = tpu.memref_slice %arg5[%dma_wait3A_90] : memref<13312xi32, #tpu.memory_space<vmem>> -> memref<1664xi32, #tpu.memory_space<vmem>>
    %dma_wait3A_92 = arith.constant 0 : i32
    %dma_wait3A_93 = arith.constant 0 : i32
    %dma_wait3A_94 = tpu.memref_slice %arg2[%dma_wait3A_92, %dma_wait3A_93] : memref<2981888x32xf32, #tpu.memory_space<hbm>> -> memref<2981888x32xf32, #tpu.memory_space<hbm>>
    tpu.wait_indirect_dma semaphore(%arg9 : memref<!tpu.dma_semaphore, #tpu.memory_space<semaphore_mem>>) src(%dma_wait3A_94 : memref<2981888x32xf32, #tpu.memory_space<hbm>>) dst(%arg7 : memref<1664x32xf32, #tpu.memory_space<vmem>>)
    %add3A_95 = arith.constant 11648 : i32
    %add3A_96 = arith.addi %mul3A_2, %add3A_95 : i32
    "tpu.region"() ({
      %run_scoped3A = tpu.sem_alloc : memref<!tpu.dma_semaphore, #tpu.memory_space<semaphore_mem>>
      %dma_start3A_97 = arith.constant 0 : i32
      %dma_start3A_98 = tpu.memref_slice %arg4[%add3A_96, %dma_start3A_97] : memref<425984x32xf32, #tpu.memory_space<hbm>> -> memref<1664x32xf32, #tpu.memory_space<hbm>>
      %dma_start3A_99 = arith.constant 0 : i32
      %dma_start3A_100 = tpu.memref_slice %arg4[%add3A_96, %dma_start3A_99] : memref<425984x32xf32, #tpu.memory_space<hbm>> -> memref<1664x32xf32, #tpu.memory_space<hbm>>
      tpu.enqueue_dma source(%arg7 : memref<1664x32xf32, #tpu.memory_space<vmem>>) target(%dma_start3A_100 : memref<1664x32xf32, #tpu.memory_space<hbm>>) target_semaphore(%run_scoped3A : memref<!tpu.dma_semaphore, #tpu.memory_space<semaphore_mem>>)
      %dma_wait3A_101 = arith.constant 0 : i32
      %dma_wait3A_102 = tpu.memref_slice %arg4[%add3A_96, %dma_wait3A_101] : memref<425984x32xf32, #tpu.memory_space<hbm>> -> memref<1664x32xf32, #tpu.memory_space<hbm>>
      %dma_wait3A_103 = arith.constant 0 : i32
      %dma_wait3A_104 = tpu.memref_slice %arg4[%add3A_96, %dma_wait3A_103] : memref<425984x32xf32, #tpu.memory_space<hbm>> -> memref<1664x32xf32, #tpu.memory_space<hbm>>
      tpu.wait_dma2 semaphore(%run_scoped3A : memref<!tpu.dma_semaphore, #tpu.memory_space<semaphore_mem>>) src(%arg7 : memref<1664x32xf32, #tpu.memory_space<vmem>>) dst(%dma_wait3A_104 : memref<1664x32xf32, #tpu.memory_space<hbm>>)
      tpu.yield
    }) : () -> ()
    return
  }
}

module attributes {stable_mosaic.version = 14 : i64} {
  func.func @_transpose_body(%arg0: i32, %arg1: i32, %arg2: memref<1x32x16384xf32, #tpu.memory_space<vmem>>, %arg3: memref<1x4096x128xf32, #tpu.memory_space<vmem>>) attributes {dimension_semantics = [#tpu.dimension_semantics<arbitrary>, #tpu.dimension_semantics<arbitrary>], iteration_bounds = array<i64: 26, 7>, scalar_prefetch = 0 : i64, scratch_operands = 0 : i64, tpu.core_type = #tpu.core_type<tc>, window_params = [{transform_indices = @transform_0, window_bounds = array<i64: 1, 32, 16384>}, {transform_indices = @transform_1, window_bounds = array<i64: 1, 4096, 128>}]} {
    %get3A = arith.constant 0 : index
    %get3A_0 = arith.constant 0 : index
    %get3A_1 = arith.constant 0 : index
    %get3A_2 = vector.load %arg2[%get3A, %get3A_0, %get3A_1] : memref<1x32x16384xf32, #tpu.memory_space<vmem>>, vector<1x32x16384xf32>
    %get3A_3 = vector.shape_cast %get3A_2 : vector<1x32x16384xf32> to vector<32x16384xf32>
    %slice3A = vector.extract_strided_slice %get3A_3 {offsets = [0, 0], sizes = [32, 4096], strides = [1, 1]} : vector<32x16384xf32> to vector<32x4096xf32>
    %slice3A_4 = vector.extract_strided_slice %get3A_3 {offsets = [0, 4096], sizes = [32, 4096], strides = [1, 1]} : vector<32x16384xf32> to vector<32x4096xf32>
    %slice3A_5 = vector.extract_strided_slice %get3A_3 {offsets = [0, 8192], sizes = [32, 4096], strides = [1, 1]} : vector<32x16384xf32> to vector<32x4096xf32>
    %slice3A_6 = vector.extract_strided_slice %get3A_3 {offsets = [0, 12288], sizes = [32, 4096], strides = [1, 1]} : vector<32x16384xf32> to vector<32x4096xf32>
    %concatenate3A = tpu.concatenate %slice3A, %slice3A_4, %slice3A_5, %slice3A_6 in 0 : vector<32x4096xf32>, vector<32x4096xf32>, vector<32x4096xf32>, vector<32x4096xf32> -> vector<128x4096xf32>
    %transpose3A = tpu.transpose %concatenate3A, [1, 0] : vector<128x4096xf32> -> vector<4096x128xf32>
    %swap3A = arith.constant 0 : index
    %swap3A_7 = arith.constant 0 : index
    %swap3A_8 = arith.constant 0 : index
    %swap3A_9 = vector.load %arg3[%swap3A, %swap3A_7, %swap3A_8] : memref<1x4096x128xf32, #tpu.memory_space<vmem>>, vector<1x4096x128xf32>
    %swap3A_10 = vector.shape_cast %swap3A_9 : vector<1x4096x128xf32> to vector<4096x128xf32>
    %swap3A_11 = vector.shape_cast %transpose3A : vector<4096x128xf32> to vector<1x4096x128xf32>
    tpu.vector_store %arg3[%swap3A, %swap3A_7, %swap3A_8], %swap3A_11 {strides = array<i32>} : memref<1x4096x128xf32, #tpu.memory_space<vmem>>, vector<1x4096x128xf32>,
    return
  }
  func.func @transform_0(%arg0: i32, %arg1: i32) -> (i32, i32, i32) {
    %add3A = arith.constant 0 : i32
    %add3A_0 = arith.addi %arg0, %add3A : i32
    %c0_i32 = arith.constant 0 : i32
    %c0_i32_1 = arith.constant 0 : i32
    return %add3A_0, %c0_i32, %arg1 : i32, i32, i32
  }
  func.func @transform_1(%arg0: i32, %arg1: i32) -> (i32, i32, i32) {
    %c0_i32 = arith.constant 0 : i32
    %c0_i32_0 = arith.constant 0 : i32
    return %arg0, %arg1, %c0_i32 : i32, i32, i32
  }
}

module attributes {stable_mosaic.version = 14 : i64} {
  func.func @_mlp_body(%arg0: i32, %arg1: memref<2048x832xf32, #tpu.memory_space<vmem>>, %arg2: memref<2048x13xf32, #tpu.memory_space<vmem>>, %arg3: memref<832x128xf32, #tpu.memory_space<vmem>>, %arg4: memref<13x128xf32, #tpu.memory_space<vmem>>, %arg5: memref<1x128xf32, #tpu.memory_space<vmem>>, %arg6: memref<128x64xf32, #tpu.memory_space<vmem>>, %arg7: memref<1x64xf32, #tpu.memory_space<vmem>>, %arg8: memref<64x32xf32, #tpu.memory_space<vmem>>, %arg9: memref<1x32xf32, #tpu.memory_space<vmem>>, %arg10: memref<32x1xf32, #tpu.memory_space<vmem>>, %arg11: memref<1x1xf32, #tpu.memory_space<vmem>>, %arg12: memref<2048x1xf32, #tpu.memory_space<vmem>>) attributes {dimension_semantics = [#tpu.dimension_semantics<arbitrary>], iteration_bounds = array<i64: 8>, scalar_prefetch = 0 : i64, scratch_operands = 0 : i64, tpu.core_type = #tpu.core_type<tc>, window_params = [{transform_indices = @transform_0, window_bounds = array<i64: 2048, 832>}, {transform_indices = @transform_1, window_bounds = array<i64: 2048, 13>}, {pipeline_mode = #tpu.pipeline_mode<synchronous>, transform_indices = @transform_2, window_bounds = array<i64: 832, 128>}, {pipeline_mode = #tpu.pipeline_mode<synchronous>, transform_indices = @transform_3, window_bounds = array<i64: 13, 128>}, {pipeline_mode = #tpu.pipeline_mode<synchronous>, transform_indices = @transform_4, window_bounds = array<i64: 1, 128>}, {pipeline_mode = #tpu.pipeline_mode<synchronous>, transform_indices = @transform_5, window_bounds = array<i64: 128, 64>}, {pipeline_mode = #tpu.pipeline_mode<synchronous>, transform_indices = @transform_6, window_bounds = array<i64: 1, 64>}, {pipeline_mode = #tpu.pipeline_mode<synchronous>, transform_indices = @transform_7, window_bounds = array<i64: 64, 32>}, {pipeline_mode = #tpu.pipeline_mode<synchronous>, transform_indices = @transform_8, window_bounds = array<i64: 1, 32>}, {pipeline_mode = #tpu.pipeline_mode<synchronous>, transform_indices = @transform_9, window_bounds = array<i64: 32, 1>}, {pipeline_mode = #tpu.pipeline_mode<synchronous>, transform_indices = @transform_10, window_bounds = array<i64: 1, 1>}, {transform_indices = @transform_11, window_bounds = array<i64: 2048, 1>}]} {
    %get3A = arith.constant 0 : index
    %get3A_0 = arith.constant 0 : index
    %get3A_1 = vector.load %arg1[%get3A, %get3A_0] : memref<2048x832xf32, #tpu.memory_space<vmem>>, vector<2048x832xf32>
    %get3A_2 = arith.constant 0 : index
    %get3A_3 = arith.constant 0 : index
    %get3A_4 = vector.load %arg3[%get3A_2, %get3A_3] : memref<832x128xf32, #tpu.memory_space<vmem>>, vector<832x128xf32>
    %dot_general3A = arith.constant dense<0.000000e+00> : vector<2048x128xf32>
    %dot_general3A_5 = tpu.matmul %get3A_1, %get3A_4, %dot_general3A {dimension_numbers = #tpu.dot_dimension_numbers<[1], [0], [0], [1], [0, 0, 1, 1], [], []>, transpose_lhs_hint = false} : vector<2048x832xf32>, vector<832x128xf32>, vector<2048x128xf32> -> vector<2048x128xf32>
    %get3A_6 = arith.constant 0 : index
    %get3A_7 = arith.constant 0 : index
    %get3A_8 = vector.load %arg2[%get3A_6, %get3A_7] : memref<2048x13xf32, #tpu.memory_space<vmem>>, vector<2048x13xf32>
    %get3A_9 = arith.constant 0 : index
    %get3A_10 = arith.constant 0 : index
    %get3A_11 = vector.load %arg4[%get3A_9, %get3A_10] : memref<13x128xf32, #tpu.memory_space<vmem>>, vector<13x128xf32>
    %dot_general3A_12 = arith.constant dense<0.000000e+00> : vector<2048x128xf32>
    %dot_general3A_13 = tpu.matmul %get3A_8, %get3A_11, %dot_general3A_12 {dimension_numbers = #tpu.dot_dimension_numbers<[1], [0], [0], [1], [0, 0, 1, 1], [], []>, transpose_lhs_hint = false} : vector<2048x13xf32>, vector<13x128xf32>, vector<2048x128xf32> -> vector<2048x128xf32>
    %add3A = arith.addf %dot_general3A_5, %dot_general3A_13 : vector<2048x128xf32>
    %get3A_14 = arith.constant 0 : index
    %get3A_15 = arith.constant 0 : index
    %get3A_16 = vector.load %arg5[%get3A_14, %get3A_15] : memref<1x128xf32, #tpu.memory_space<vmem>>, vector<1x128xf32>
    %add3A_17 = vector.broadcast %get3A_16 : vector<1x128xf32> to vector<2048x128xf32>
    %add3A_18 = arith.addf %add3A, %add3A_17 : vector<2048x128xf32>
    %max3A = arith.constant 0.000000e+00 : f32
    %max3A_19 = vector.broadcast %max3A : f32 to vector<2048x128xf32>
    %max3A_20 = arith.maximumf %add3A_18, %max3A_19 : vector<2048x128xf32>
    %get3A_21 = arith.constant 0 : index
    %get3A_22 = arith.constant 0 : index
    %get3A_23 = vector.load %arg6[%get3A_21, %get3A_22] : memref<128x64xf32, #tpu.memory_space<vmem>>, vector<128x64xf32>
    %dot_general3A_24 = arith.constant dense<0.000000e+00> : vector<2048x64xf32>
    %dot_general3A_25 = tpu.matmul %max3A_20, %get3A_23, %dot_general3A_24 {dimension_numbers = #tpu.dot_dimension_numbers<[1], [0], [0], [1], [0, 0, 1, 1], [], []>, transpose_lhs_hint = false} : vector<2048x128xf32>, vector<128x64xf32>, vector<2048x64xf32> -> vector<2048x64xf32>
    %get3A_26 = arith.constant 0 : index
    %get3A_27 = arith.constant 0 : index
    %get3A_28 = vector.load %arg7[%get3A_26, %get3A_27] : memref<1x64xf32, #tpu.memory_space<vmem>>, vector<1x64xf32>
    %add3A_29 = vector.broadcast %get3A_28 : vector<1x64xf32> to vector<2048x64xf32>
    %add3A_30 = arith.addf %dot_general3A_25, %add3A_29 : vector<2048x64xf32>
    %max3A_31 = arith.constant 0.000000e+00 : f32
    %max3A_32 = vector.broadcast %max3A_31 : f32 to vector<2048x64xf32>
    %max3A_33 = arith.maximumf %add3A_30, %max3A_32 : vector<2048x64xf32>
    %get3A_34 = arith.constant 0 : index
    %get3A_35 = arith.constant 0 : index
    %get3A_36 = vector.load %arg8[%get3A_34, %get3A_35] : memref<64x32xf32, #tpu.memory_space<vmem>>, vector<64x32xf32>
    %dot_general3A_37 = arith.constant dense<0.000000e+00> : vector<2048x32xf32>
    %dot_general3A_38 = tpu.matmul %max3A_33, %get3A_36, %dot_general3A_37 {dimension_numbers = #tpu.dot_dimension_numbers<[1], [0], [0], [1], [0, 0, 1, 1], [], []>, transpose_lhs_hint = false} : vector<2048x64xf32>, vector<64x32xf32>, vector<2048x32xf32> -> vector<2048x32xf32>
    %get3A_39 = arith.constant 0 : index
    %get3A_40 = arith.constant 0 : index
    %get3A_41 = vector.load %arg9[%get3A_39, %get3A_40] : memref<1x32xf32, #tpu.memory_space<vmem>>, vector<1x32xf32>
    %add3A_42 = vector.broadcast %get3A_41 : vector<1x32xf32> to vector<2048x32xf32>
    %add3A_43 = arith.addf %dot_general3A_38, %add3A_42 : vector<2048x32xf32>
    %max3A_44 = arith.constant 0.000000e+00 : f32
    %max3A_45 = vector.broadcast %max3A_44 : f32 to vector<2048x32xf32>
    %max3A_46 = arith.maximumf %add3A_43, %max3A_45 : vector<2048x32xf32>
    %get3A_47 = arith.constant 0 : index
    %get3A_48 = arith.constant 0 : index
    %get3A_49 = vector.load %arg10[%get3A_47, %get3A_48] : memref<32x1xf32, #tpu.memory_space<vmem>>, vector<32x1xf32>
    %dot_general3A_50 = arith.constant dense<0.000000e+00> : vector<2048x1xf32>
    %dot_general3A_51 = tpu.matmul %max3A_46, %get3A_49, %dot_general3A_50 {dimension_numbers = #tpu.dot_dimension_numbers<[1], [0], [0], [1], [0, 0, 1, 1], [], []>, transpose_lhs_hint = false} : vector<2048x32xf32>, vector<32x1xf32>, vector<2048x1xf32> -> vector<2048x1xf32>
    %get3A_52 = arith.constant 0 : index
    %get3A_53 = arith.constant 0 : index
    %get3A_54 = vector.load %arg11[%get3A_52, %get3A_53] : memref<1x1xf32, #tpu.memory_space<vmem>>, vector<1x1xf32>
    %add3A_55 = vector.broadcast %get3A_54 : vector<1x1xf32> to vector<2048x1xf32>
    %add3A_56 = arith.addf %dot_general3A_51, %add3A_55 : vector<2048x1xf32>
    %swap3A = arith.constant 0 : index
    %swap3A_57 = arith.constant 0 : index
    %swap3A_58 = vector.load %arg12[%swap3A, %swap3A_57] : memref<2048x1xf32, #tpu.memory_space<vmem>>, vector<2048x1xf32>
    tpu.vector_store %arg12[%swap3A, %swap3A_57], %add3A_56 {strides = array<i32>} : memref<2048x1xf32, #tpu.memory_space<vmem>>, vector<2048x1xf32>,
    return
  }
  func.func @transform_0(%arg0: i32) -> (i32, i32) {
    %c0_i32 = arith.constant 0 : i32
    %c0_i32_0 = arith.constant 0 : i32
    return %arg0, %c0_i32 : i32, i32
  }
  func.func @transform_1(%arg0: i32) -> (i32, i32) {
    %c0_i32 = arith.constant 0 : i32
    %c0_i32_0 = arith.constant 0 : i32
    return %arg0, %c0_i32 : i32, i32
  }
  func.func @transform_2(%arg0: i32) -> (i32, i32) {
    %c0_i32 = arith.constant 0 : i32
    %c0_i32_0 = arith.constant 0 : i32
    %c0_i32_1 = arith.constant 0 : i32
    return %c0_i32, %c0_i32_0 : i32, i32
  }
  func.func @transform_3(%arg0: i32) -> (i32, i32) {
    %c0_i32 = arith.constant 0 : i32
    %c0_i32_0 = arith.constant 0 : i32
    %c0_i32_1 = arith.constant 0 : i32
    return %c0_i32, %c0_i32_0 : i32, i32
  }
  func.func @transform_4(%arg0: i32) -> (i32, i32) {
    %c0_i32 = arith.constant 0 : i32
    %c0_i32_0 = arith.constant 0 : i32
    %c0_i32_1 = arith.constant 0 : i32
    return %c0_i32, %c0_i32_0 : i32, i32
  }
  func.func @transform_5(%arg0: i32) -> (i32, i32) {
    %c0_i32 = arith.constant 0 : i32
    %c0_i32_0 = arith.constant 0 : i32
    %c0_i32_1 = arith.constant 0 : i32
    return %c0_i32, %c0_i32_0 : i32, i32
  }
  func.func @transform_6(%arg0: i32) -> (i32, i32) {
    %c0_i32 = arith.constant 0 : i32
    %c0_i32_0 = arith.constant 0 : i32
    %c0_i32_1 = arith.constant 0 : i32
    return %c0_i32, %c0_i32_0 : i32, i32
  }
  func.func @transform_7(%arg0: i32) -> (i32, i32) {
    %c0_i32 = arith.constant 0 : i32
    %c0_i32_0 = arith.constant 0 : i32
    %c0_i32_1 = arith.constant 0 : i32
    return %c0_i32, %c0_i32_0 : i32, i32
  }
  func.func @transform_8(%arg0: i32) -> (i32, i32) {
    %c0_i32 = arith.constant 0 : i32
    %c0_i32_0 = arith.constant 0 : i32
    %c0_i32_1 = arith.constant 0 : i32
    return %c0_i32, %c0_i32_0 : i32, i32
  }
  func.func @transform_9(%arg0: i32) -> (i32, i32) {
    %c0_i32 = arith.constant 0 : i32
    %c0_i32_0 = arith.constant 0 : i32
    %c0_i32_1 = arith.constant 0 : i32
    return %c0_i32, %c0_i32_0 : i32, i32
  }
  func.func @transform_10(%arg0: i32) -> (i32, i32) {
    %c0_i32 = arith.constant 0 : i32
    %c0_i32_0 = arith.constant 0 : i32
    %c0_i32_1 = arith.constant 0 : i32
    return %c0_i32, %c0_i32_0 : i32, i32
  }
  func.func @transform_11(%arg0: i32) -> (i32, i32) {
    %c0_i32 = arith.constant 0 : i32
    %c0_i32_0 = arith.constant 0 : i32
    return %arg0, %c0_i32 : i32, i32
  }
}

</mosaic_0001>

<sc_bundles>
// kernel: kernel.5.cloned.1.call-start
scs
__scs_entry_jumppad:
0x0: {  	(pc) =	sbr.rel $0x88, $3  }
0x1: {  	(tag) =	ssettag $0x0;
	lr =	simm.s32 $0x1  }
0x2: {  	[smem:$0x3F96] =	sst lr;
	_ =	strace $0xD0000000  }
0x3: {  	_ = 	snop  }
0x4: {  	_ = 	snop  }
0x5: {  	_ = 	snop  }
0x6: {  	_ = 	snop  }
0x7: {  	_ = 	snop  }
__scs_overlays_trampoline_lowered:
0x8: {  	[smem:$0x3FA5] =	sst s0  }
0x9: {  	[smem:$0x3FA6] =	sst s1  }
0xa: {  	[smem:$0x3FA7] =	sst s2  }
0xb: {  	[smem:$0x3FA8] =	sst s3  }
0xc: {  	[smem:$0x3FA9] =	sst s4  }
0xd: {  	[smem:$0x3FAA] =	sst s5  }
0xe: {  	[smem:$0x3FAB] =	sst s6  }
0xf: {  	[smem:$0x3FAC] =	sst s7  }
0x10: {  	[smem:$0x3FAD] =	sst s8  }
0x11: {  	[smem:$0x3FAE] =	sst s9;
	s0 =	simm.s32 @!p0 $0x0  }
0x12: {  	s1 =	sld [smem:$0x3F94];
	s0 =	simm.s32 @p0 $0x1  }
0x13: {  	[smem:$0x3FAF] =	sst s0;
	s0 =	simm.s32 @!p1 $0x0  }
0x14: {  	s2 =	sld [smem:$0x3F93];
	s0 =	simm.s32 @p1 $0x1  }
0x15: {  	[smem:$0x3FB0] =	sst s0;
	s0 =	simm.s32 @!p2 $0x0  }
0x16: {  	s3 =	sld [smem:$0x3FDB];
	s0 =	simm.s32 @p2 $0x1  }
0x17: {  	s4 =	simm.s32 $0x1BF5;
	[smem:$0x3FB2] =	sst s0  }
0x18: {  	s0 =	sld [smem:$0x3F95];
	_ =	swait.ge [sflag:s4], $0x0  }
0x19: {  	s7 =	sld [smem:$0x3F96]  }
0x1a: {  	s8 =	sadd.s32 $0xFFFFE003, lr  }
0x1b: {  	s9 =	sadd.s32 $0xFFFFFEF7, lr;
	s5 =	simm.s32 $0xFFFFFFFF;
	p2 =	slt.u32 s8, $0xFFFFF086  }
0x1c: {  	p1 =	slt.u32 s9, $0xF7A;
	s5 =	simm.s32 @!p2 $0x0  }
0x1d: {  	s5 =	simm.s32 @p1 $0x1;
	p0 =	seq.s32 s7, s2  }
0x1e: {  	s7 =	smul.u32 @!p0 $0xF7A, s2;
	p2 =	seq.s32 @!p0 s5, $0x0  }
0x1f: {  	s9 =	smul.u32 $0xF7A, s1;
	s8 =	simm.s32 @!p0 $0x1BF5;
	p2 =	por !p2, p0  }
0x20: {  	[sflag:s8] =	ssyncset.s32 @!p0 $0xFFFFF086;
	s6 =	sadd.s32 @!p0 s3, s7;
	s7 =	simm.s32 @!p0 $0x108  }
0x21: {  	s3 =	sadd.s32 s3, s9;
	s6 =	sadd.s32 @!p0 $0x88, s6;
	s7 =	simm.s32 @p2 $0x1082  }
0x22: {  	[simem:s7], [sflag:s8] =	dma.local @!p0 [hbm:s6], $0xF7A  }
0x23: {  	s9 =	sor.u32 $0xD0000000, s2;
	s6 =	simm.s32 $0x108;
	_ =	swait.ge @!p0 [sflag:s8], $0x0  }
0x24: {  	s3 =	sadd.s32 $0x88, s3;
	s6 =	simm.s32 @!p1 $0x1082;
	[sflag:s4] =	ssyncset.s32 $0xFFFFF086  }
0x25: {  	[simem:s6], [sflag:s4] =	dma.local [hbm:s3], $0xF7A  }
0x26: {  	[smem:$0x3F96] =	sst s1;
	(tag) =	ssettag s2;
	_ =	strace s9  }
0x27: {  	s1 =	sld [smem:$0x3FA6]  }
0x28: {  	s2 =	sld [smem:$0x3FA7]  }
0x29: {  	s4 =	sld [smem:$0x3FA9]  }
0x2a: {  	p0 =	seq.s32 s5, $0x0;
	s5 =	sld [smem:$0x3FAA]  }
0x2b: {  	s6 =	sld [smem:$0x3FAB]  }
0x2c: {  	s7 =	sld [smem:$0x3FAC]  }
0x2d: {  	s3 =	simm.s32 $0x108;
	s8 =	sld [smem:$0x3FAD]  }
0x2e: {  	s3 =	simm.s32 @!p0 $0x1082;
	s9 =	sld [smem:$0x3FAE]  }
0x2f: {  	lr =	sadd.s32 s0, s3;
	s0 =	sld [smem:$0x3FA5]  }
0x30: {  	s3 =	sld [smem:$0x3FA8]  }
0x31: {  	[smem:$0x3FB1] =	sst s10  }
0x32: {  	s10 =	sld [smem:$0x3FAF];
	_ =	sdelay $0x3  }
0x33: {  	p0 =	seq.s32 s10, $0x1;
	s10 =	sld [smem:$0x3FB1];
	_ =	sdelay $0x3  }
0x34: {  	[smem:$0x3FB1] =	sst s10  }
0x35: {  	s10 =	sld [smem:$0x3FB0];
	_ =	sdelay $0x3  }
0x36: {  	p1 =	seq.s32 s10, $0x1;
	s10 =	sld [smem:$0x3FB1];
	_ =	sdelay $0x3  }
0x37: {  	[smem:$0x3FB1] =	sst s10  }
0x38: {  	s10 =	sld [smem:$0x3FB2]  }
0x39: {  	_ = 	snop;
	(pc) =	sbr.ind lr, $3  }
0x3a: {  	_ = 	snop  }
0x3b: {  	_ = 	snop  }
0x3c: {  	p2 =	seq.s32 s10, $0x1;
	s10 =	sld [smem:$0x3FB1]  }
0x3d: {  	_ =	shalt  }
0x3e: {  	_ =	shalt  }
0x3f: {  	_ =	shalt  }
0x40: {  	_ =	shalt  }
0x41: {  	_ =	shalt  }
0x42: {  	_ =	shalt  }
0x43: {  	_ =	shalt  }
0x44: {  	_ =	shalt  }
0x45: {  	_ =	shalt  }
0x46: {  	_ =	shalt  }
0x47: {  	_ =	shalt  }
0x48: {  	_ =	shalt  }
0x49: {  	_ =	shalt  }
0x4a: {  	_ =	shalt  }
0x4b: {  	_ =	shalt  }
0x4c: {  	_ =	shalt  }
0x4d: {  	_ =	shalt  }
0x4e: {  	_ =	shalt  }
0x4f: {  	_ =	shalt  }
0x50: {  	_ =	shalt  }
0x51: {  	_ =	shalt  }
0x52: {  	_ =	shalt  }
0x53: {  	_ =	shalt  }
0x54: {  	_ =	shalt  }
0x55: {  	_ =	shalt  }
0x56: {  	_ =	shalt  }
0x57: {  	_ =	shalt  }
0x58: {  	_ =	shalt  }
0x59: {  	_ =	shalt  }
0x5a: {  	_ =	shalt  }
0x5b: {  	_ =	shalt  }
0x5c: {  	_ =	shalt  }
0x5d: {  	_ =	shalt  }
0x5e: {  	_ =	shalt  }
0x5f: {  	_ =	shalt  }
0x60: {  	_ =	shalt  }
0x61: {  	_ =	shalt  }
0x62: {  	_ =	shalt  }
0x63: {  	_ =	shalt  }
0x64: {  	_ =	shalt  }
0x65: {  	_ =	shalt  }
0x66: {  	_ =	shalt  }
0x67: {  	_ =	shalt  }
0x68: {  	_ =	shalt  }
0x69: {  	_ =	shalt  }
0x6a: {  	_ =	shalt  }
0x6b: {  	_ =	shalt  }
0x6c: {  	_ =	shalt  }
0x6d: {  	_ =	shalt  }
0x6e: {  	_ =	shalt  }
0x6f: {  	_ =	shalt  }
0x70: {  	_ =	shalt  }
0x71: {  	_ =	shalt  }
0x72: {  	_ =	shalt  }
0x73: {  	_ =	shalt  }
0x74: {  	_ =	shalt  }
0x75: {  	_ =	shalt  }
0x76: {  	_ =	shalt  }
0x77: {  	_ =	shalt  }
0x78: {  	_ =	shalt  }
0x79: {  	_ =	shalt  }
0x7a: {  	_ =	shalt  }
0x7b: {  	_ =	shalt  }
0x7c: {  	_ =	shalt  }
0x7d: {  	_ =	shalt  }
0x7e: {  	_ =	shalt  }
0x7f: {  	_ =	shalt  }
0x80: {  	_ =	shalt  }
0x81: {  	_ =	shalt  }
0x82: {  	_ =	shalt  }
0x83: {  	_ =	shalt  }
0x84: {  	_ =	shalt  }
0x85: {  	_ =	shalt  }
0x86: {  	_ =	shalt  }
0x87: {  	_ =	shalt  }
.Lfunc_end0:
.L_simem_size_0:
called_computation_lowered:
.L_overlay_start_0:
0x88: {  	s2 =	sld [smem:$0x3FD9]  }
0x89: {  	s3 =	sld [smem:$0x3FFE];
	_ =	sdelay $0x1  }
0x8a: {  	s1 =	srdreg.scid  }
0x8b: {  	s0 =	sand.u32 $0x1, s1  }
0x8c: {  	s16 =	sshll.u32 s0, $0xA;
	s2 =	sadd.s32 s3, s2  }
0x8d: {  	s2 =	sadd.s32 s2, s16  }
0x8e: {  	[smem:$0x3FBD] =	sst s2  }
0x8f: {  	_ = 	snop  }
0x90: {  	(tm) =	ssettm $0x1  }
0x91: {  	s17 =	sld [smem:$0x3FFB];
	_ =	sdelay $0x3  }
0x92: {  	_ =	strace s17  }
0x93: {  	s2 =	sld [smem:$0x3FFC];
	_ =	sdelay $0x3  }
0x94: {  	_ =	strace s2  }
0x95: {  	s2 =	sld [smem:$0x3FFD];
	_ =	sdelay $0x3  }
0x96: {  	_ =	strace s2  }
0x97: {  	_ =	strace $0x8FFFFFFF  }
0x98: {  	s18 =	sld [smem:$0x3FDB];
	_ =	sdelay $0x1  }
0x99: {  	s19 =	simm.s32 $_scs_section_size  }
0x9a: {  	s4 =	simm.s32 $_size__tile_overlayer_lowered;
	s5 =	simm.s32 $_tile_overlayer_lowered  }
0x9b: {  	s22 =	simm.s32 $0x1BFF;
	s21 =	sshll.u32 s5, $0x1;
	s2 =	sadd.s32 s19, s18  }
0x9c: {  	s6 =	simm.s32 $0x0;
	s20 =	sshll.u32 s4, $0x1;
	s4 =	sadd.s32 s21, s2  }
0x9d: {  	[timem:s6], [sflag:s22] =	dma.local [hbm:s4], s20  }
0x9e: {  	_ =	swait.ge [sflag:s22], s20  }
0x9f: {  	s3 =	ssub.s32 $0x0, s20;
	[sflag:s22] =	ssyncset.done $0x0  }
0xa0: {  	[sflag:s22] =	ssyncadd.s32 s3;
	_ =	sdelay $0x1  }
0xa1: {  	s23 =	simm.s32 $0x1B8B  }
0xa2: {  	_ =	swait.ge [sflag:s23], $0x1  }
0xa3: {  	[sflag:s23] =	ssyncset.done $0x0  }
0xa4: {  	s25 =	simm.s32 $0x1B8E;
	s24 =	sld [smem:$0x3FFE];
	[sflag:s23] =	ssyncadd.s32 $0xFFFFFFFF  }
0xa5: {  	s26 =	simm.s32 $execute0_lowered;
	[smem:$0x3FD2] =	sst s25  }
0xa6: {  	s4 =	sshll.u32 s26, $0x1;
	_ =	strace $0x80000046;
	[dreg:$0x1] =	wrdreg $0xFFFFFFFF  }
0xa7: {  	s28 =	simm.s32 $_size_execute0_lowered;
	s2 =	sadd.s32 s2, s4;
	[dreg:$0x0] =	wrdreg $0x0  }
0xa8: {  	s4 =	sshll.u32 s28, $0x1;
	[dreg:$0x2] =	wrdreg s2  }
0xa9: {  	[dreg:$0x3] =	wrdreg s4  }
0xaa: {  	[dreg:$0x4] =	wrdreg $0xC0  }
0xab: {  	_ =	task [dreg:s6], $0x5FFFF  }
0xac: {  	[dreg:$0x1] =	wrdreg $0xFFFFFFFF  }
0xad: {  	[dreg:$0x0] =	wrdreg $0x60  }
0xae: {  	[dreg:$0x2] =	wrdreg s24  }
0xaf: {  	[dreg:$0x3] =	wrdreg $0x9  }
0xb0: {  	_ =	task.clear_ibuf [dreg:s6], $0x4FFFF;
	_ =	strace $0x90000046  }
0xb1: {  	s29 =	simm.s32 $0x9;
	_ =	strace $0x80000048  }
0xb2: {  	_ =	swait.ge [sflag:s29], $0x1  }
0xb3: {  	[sflag:s29] =	ssyncadd.s32 $0xFFFFFFFF  }
0xb4: {  	_ =	strace $0x90000048  }
0xb5: {  	_ =	sfence  }
0xb6: {  	s30 =	sld [smem:$0x0];
	_ =	sdelay $0x2  }
0xb7: {  	s31 =	sshll.u32 s1, $0xD;
	s1 =	sshrl.u32 s1, $0x2  }
0xb8: {  	s3 =	sand.u32 $0x4000, s31;
	s1 =	sadd.s32 s1, s30  }
0xb9: {  	s0 =	sor.u32 s3, s0;
	s1 =	sshll.u32 s1, $0x11  }
0xba: {  	s0 =	sor.u32 s1, s0  }
0xbb: {  	s0 =	sadd.s32 $0x8F2B, s0  }
0xbc: {  	[sflag:s0] =	ssyncadd.remote.s32 $0x1  }
0xbd: {  	_ =	sfence.sel $0xFFFF  }
0xbe: {  	[dreg:$0x0] =	wrdreg $0xFFFFFFFF;
	(pc) =	sbr.abs _section_cstart, $3  }
0xbf: {  	[dreg:$0x1] =	wrdreg $0xFFFFFFFF  }
0xc0: {  	_ =	task.clear_ibuf [dreg:s6], $0x2FFFF;
	_ =	strace $0x9FFFFFFF  }
0xc1: {  	(tm) =	ssettm $0x7FFFFFFF  }
tec
execute0_lowered:
.L_overlay_start_1:
0x0: {  	(tag) =	ssettag $0x1  }
0x1: {  	s1 =	srdreg.scid;
	s0 =	stileid.u32  }
0x2: {  	s24 =	sand.u32 $0x1, s1;
	s30 =	sshll.u32 s0, $0x1  }
0x3: {  	s11 =	sor.u32 s24, s30  }
0x4: {  	s9 =	rddreg [dreg:$0x0];
	s3 =	smul.u32 $0x680, s11  }
0x5: {  	s2 =	simm.s32 $0x0;
	s1 =	rddreg [dreg:$0x1]  }
0x6: {  	[smem:$0x7FF] =	sst s2;
	s3 =	sadd.s32 s3, s9  }
0x7: {  	_ =	strace $0x80000047;
	s4 =	sadd.s32 $0xB61400, s3;
	s3 =	simm.s32 $0x3  }
0x8: {  	[tilespmem:s2], [sflag:$0x3] =	stream.linear.gather [hbm4b:s4+s2], $0x3400, $0x38;
	[tilespmem:$0x1D400] =	vst v63  }
0x9: {  	_ =	swait.ge [sflag:s3], $0x3400  }
0xa: {  	s6 =	simm.s32 $0x680;
	s7 =	simm.s32 $0x3400;
	[sflag:s3] =	ssyncset.done $0x0  }
0xb: {  	s8 =	simm.s32 $0x1;
	s5 =	sadd.s32 $0x1400, s9;
	[sflag:s3] =	ssyncadd.s32 $0xFFFFCC00  }
0xc: {  	[tilespmem:s7], [sflag:$0x1] =	stream.indirect.gather [hbm4b:s5+s6], $0x20, s2, s6, $0xb8;
	[tilespmem:$0x1D400] =	vst v63  }
0xd: {  	_ =	swait.ge [sflag:s8], $0xD000  }
0xe: {  	s12 =	sadd.s32 $0xB6E400, s9;
	[sflag:s8] =	ssyncset.done $0x0  }
0xf: {  	s10 =	smul.u32 $0xD000, s11;
	s9 =	simm.s32 $0x10400;
	[sflag:s8] =	ssyncadd.s32 $0xFFFF3000  }
0x10: {  	[tilespmem:s9], [sflag:$0x2] =	stream.indirect.gather [hbm4b:s5+s6], $0x20, s6, s6, $0xb8;
	[tilespmem:$0x1D400] =	vst v63  }
0x11: {  	s10 =	sadd.s32 s12, s10  }
0x12: {  	[hbm4b:s10+s2] =	stream.linear.scatter [tilespmem:s7], [sflag:$0x3], $0xD000, $0x38;
	[tilespmem:$0x1D400] =	vst v63  }
0x13: {  	_ =	swait.ge [sflag:s3], $0xD000  }
0x14: {  	[sflag:s3] =	ssyncset.done $0x0  }
0x15: {  	s13 =	smul.u32 $0x68000, s11;
	s11 =	simm.s32 $0x2;
	[sflag:s3] =	ssyncadd.s32 $0xFFFF3000  }
0x16: {  	_ =	swait.ge [sflag:s11], $0xD000  }
0x17: {  	s13 =	sshrl.u32 s13, $0x3;
	[sflag:s11] =	ssyncset.done $0x0  }
0x18: {  	s25 =	sadd.s32 s12, s13;
	s12 =	simm.s32 $0xD00;
	[sflag:s11] =	ssyncadd.s32 $0xFFFF3000  }
0x19: {  	[tilespmem:s7], [sflag:$0x1] =	stream.indirect.gather [hbm4b:s5+s6], $0x20, s12, s6, $0xb8;
	[tilespmem:$0x1D400] =	vst v63  }
0x1a: {  	s13 =	sadd.s32 $0x1A00, s25  }
0x1b: {  	[hbm4b:s13+s2] =	stream.linear.scatter [tilespmem:s9], [sflag:$0x3], $0xD000, $0x38;
	[tilespmem:$0x1D400] =	vst v63  }
0x1c: {  	_ =	swait.ge [sflag:s3], $0xD000  }
0x1d: {  	[sflag:s3] =	ssyncset.done $0x0  }
0x1e: {  	[sflag:s3] =	ssyncadd.s32 $0xFFFF3000  }
0x1f: {  	_ =	swait.ge [sflag:s8], $0xD000  }
0x20: {  	[sflag:s8] =	ssyncset.done $0x0  }
0x21: {  	s14 =	simm.s32 $0x1380;
	[sflag:s8] =	ssyncadd.s32 $0xFFFF3000  }
0x22: {  	[tilespmem:s9], [sflag:$0x2] =	stream.indirect.gather [hbm4b:s5+s6], $0x20, s14, s6, $0xb8;
	[tilespmem:$0x1D400] =	vst v63  }
0x23: {  	s15 =	sadd.s32 $0x3400, s25  }
0x24: {  	[hbm4b:s15+s2] =	stream.linear.scatter [tilespmem:s7], [sflag:$0x3], $0xD000, $0x38;
	[tilespmem:$0x1D400] =	vst v63  }
0x25: {  	_ =	swait.ge [sflag:s3], $0xD000  }
0x26: {  	[sflag:s3] =	ssyncset.done $0x0  }
0x27: {  	[sflag:s3] =	ssyncadd.s32 $0xFFFF3000  }
0x28: {  	_ =	swait.ge [sflag:s11], $0xD000  }
0x29: {  	[sflag:s11] =	ssyncset.done $0x0  }
0x2a: {  	s16 =	simm.s32 $0x1A00;
	[sflag:s11] =	ssyncadd.s32 $0xFFFF3000  }
0x2b: {  	[tilespmem:s7], [sflag:$0x1] =	stream.indirect.gather [hbm4b:s5+s6], $0x20, s16, s6, $0xb8;
	[tilespmem:$0x1D400] =	vst v63  }
0x2c: {  	s17 =	sadd.s32 $0x4E00, s25  }
0x2d: {  	[hbm4b:s17+s2] =	stream.linear.scatter [tilespmem:s9], [sflag:$0x3], $0xD000, $0x38;
	[tilespmem:$0x1D400] =	vst v63  }
0x2e: {  	_ =	swait.ge [sflag:s3], $0xD000  }
0x2f: {  	[sflag:s3] =	ssyncset.done $0x0  }
0x30: {  	[sflag:s3] =	ssyncadd.s32 $0xFFFF3000  }
0x31: {  	_ =	swait.ge [sflag:s8], $0xD000  }
0x32: {  	[sflag:s8] =	ssyncset.done $0x0  }
0x33: {  	s18 =	simm.s32 $0x2080;
	[sflag:s8] =	ssyncadd.s32 $0xFFFF3000  }
0x34: {  	[tilespmem:s9], [sflag:$0x2] =	stream.indirect.gather [hbm4b:s5+s6], $0x20, s18, s6, $0xb8;
	[tilespmem:$0x1D400] =	vst v63  }
0x35: {  	s19 =	sadd.s32 $0x6800, s25  }
0x36: {  	[hbm4b:s19+s2] =	stream.linear.scatter [tilespmem:s7], [sflag:$0x3], $0xD000, $0x38;
	[tilespmem:$0x1D400] =	vst v63  }
0x37: {  	_ =	swait.ge [sflag:s3], $0xD000  }
0x38: {  	[sflag:s3] =	ssyncset.done $0x0  }
0x39: {  	[sflag:s3] =	ssyncadd.s32 $0xFFFF3000  }
0x3a: {  	_ =	swait.ge [sflag:s11], $0xD000  }
0x3b: {  	[sflag:s11] =	ssyncset.done $0x0  }
0x3c: {  	s20 =	simm.s32 $0x2700;
	[sflag:s11] =	ssyncadd.s32 $0xFFFF3000  }
0x3d: {  	[tilespmem:s7], [sflag:$0x1] =	stream.indirect.gather [hbm4b:s5+s6], $0x20, s20, s6, $0xb8;
	[tilespmem:$0x1D400] =	vst v63  }
0x3e: {  	s21 =	sadd.s32 $0x8200, s25  }
0x3f: {  	[hbm4b:s21+s2] =	stream.linear.scatter [tilespmem:s9], [sflag:$0x3], $0xD000, $0x38;
	[tilespmem:$0x1D400] =	vst v63  }
0x40: {  	_ =	swait.ge [sflag:s3], $0xD000  }
0x41: {  	[sflag:s3] =	ssyncset.done $0x0  }
0x42: {  	[sflag:s3] =	ssyncadd.s32 $0xFFFF3000  }
0x43: {  	_ =	swait.ge [sflag:s8], $0xD000  }
0x44: {  	[sflag:s8] =	ssyncset.done $0x0  }
0x45: {  	s22 =	simm.s32 $0x2D80;
	[sflag:s8] =	ssyncadd.s32 $0xFFFF3000  }
0x46: {  	[tilespmem:s9], [sflag:$0x2] =	stream.indirect.gather [hbm4b:s5+s6], $0x20, s22, s6, $0xb8;
	[tilespmem:$0x1D400] =	vst v63  }
0x47: {  	s24 =	ssub.s32 $0x2, s24;
	s23 =	sadd.s32 $0x9C00, s25  }
0x48: {  	[hbm4b:s23+s2] =	stream.linear.scatter [tilespmem:s7], [sflag:$0x3], $0xD000, $0x38;
	[tilespmem:$0x1D400] =	vst v63  }
0x49: {  	s26 =	sshrl.u32 s24, $0x1;
	_ =	swait.ge [sflag:s3], $0xD000  }
0x4a: {  	s26 =	ssub.s32 s24, s26;
	[sflag:s3] =	ssyncset.done $0x0  }
0x4b: {  	s31 =	smax.u32 s26, $0x1;
	[sflag:s3] =	ssyncadd.s32 $0xFFFF3000  }
0x4c: {  	p0 =	sne.s32 s31, $0x1;
	_ =	swait.ge [sflag:s11], $0xD000  }
.Ltmp0:
0x4d: {  	[sflag:s11] =	ssyncset.done $0x0;
	(pc) =	sbr.rel @!p0 .LBB2_2-.Ltmp0, $4  }
0x4e: {  	s24 =	sadd.s32 $0xB600, s25;
	[sflag:s11] =	ssyncadd.s32 $0xFFFF3000  }
0x4f: {  	[hbm4b:s24+s2] =	stream.linear.scatter [tilespmem:s9], [sflag:$0x3], $0xD000, $0x38;
	[tilespmem:$0x1D400] =	vst v63  }
0x50: {  	_ =	swait.ge [sflag:s3], $0xD000  }
0x51: {  	s25 =	sadd.s32 $0xFFFFFFFF, s31;
	[sflag:s3] =	ssyncset.done $0x0  }
.LBB2_1:
0x52: {  	p0 =	sne.s32 s25, $0x1;
	s25 =	sadd.s32 $0xFFFFFFFF, s25;
	[sflag:s3] =	ssyncadd.s32 $0xFFFF3000  }
0x53: {  	[tilespmem:s2], [sflag:$0x3] =	stream.linear.gather [hbm4b:s4+s2], $0x3400, $0x38;
	[tilespmem:$0x1D400] =	vst v63  }
0x54: {  	_ =	swait.ge [sflag:s3], $0x3400  }
0x55: {  	[sflag:s3] =	ssyncset.done $0x0  }
0x56: {  	[sflag:s3] =	ssyncadd.s32 $0xFFFFCC00  }
0x57: {  	[tilespmem:s7], [sflag:$0x1] =	stream.indirect.gather [hbm4b:s5+s6], $0x20, s2, s6, $0xb8;
	[tilespmem:$0x1D400] =	vst v63  }
0x58: {  	_ =	swait.ge [sflag:s8], $0xD000  }
0x59: {  	[sflag:s8] =	ssyncset.done $0x0  }
0x5a: {  	[sflag:s8] =	ssyncadd.s32 $0xFFFF3000  }
0x5b: {  	[tilespmem:s9], [sflag:$0x2] =	stream.indirect.gather [hbm4b:s5+s6], $0x20, s6, s6, $0xb8;
	[tilespmem:$0x1D400] =	vst v63  }
0x5c: {  	_ = 	snop  }
0x5d: {  	[hbm4b:s10+s2] =	stream.linear.scatter [tilespmem:s7], [sflag:$0x3], $0xD000, $0x38;
	[tilespmem:$0x1D400] =	vst v63  }
0x5e: {  	_ =	swait.ge [sflag:s3], $0xD000  }
0x5f: {  	[sflag:s3] =	ssyncset.done $0x0  }
0x60: {  	[sflag:s3] =	ssyncadd.s32 $0xFFFF3000  }
0x61: {  	_ =	swait.ge [sflag:s11], $0xD000  }
0x62: {  	[sflag:s11] =	ssyncset.done $0x0  }
0x63: {  	[sflag:s11] =	ssyncadd.s32 $0xFFFF3000  }
0x64: {  	[tilespmem:s7], [sflag:$0x1] =	stream.indirect.gather [hbm4b:s5+s6], $0x20, s12, s6, $0xb8;
	[tilespmem:$0x1D400] =	vst v63  }
0x65: {  	_ = 	snop  }
0x66: {  	[hbm4b:s13+s2] =	stream.linear.scatter [tilespmem:s9], [sflag:$0x3], $0xD000, $0x38;
	[tilespmem:$0x1D400] =	vst v63  }
0x67: {  	_ =	swait.ge [sflag:s3], $0xD000  }
0x68: {  	[sflag:s3] =	ssyncset.done $0x0  }
0x69: {  	[sflag:s3] =	ssyncadd.s32 $0xFFFF3000  }
0x6a: {  	_ =	swait.ge [sflag:s8], $0xD000  }
0x6b: {  	[sflag:s8] =	ssyncset.done $0x0  }
0x6c: {  	[sflag:s8] =	ssyncadd.s32 $0xFFFF3000  }
0x6d: {  	[tilespmem:s9], [sflag:$0x2] =	stream.indirect.gather [hbm4b:s5+s6], $0x20, s14, s6, $0xb8;
	[tilespmem:$0x1D400] =	vst v63  }
0x6e: {  	_ = 	snop  }
0x6f: {  	[hbm4b:s15+s2] =	stream.linear.scatter [tilespmem:s7], [sflag:$0x3], $0xD000, $0x38;
	[tilespmem:$0x1D400] =	vst v63  }
0x70: {  	_ =	swait.ge [sflag:s3], $0xD000  }
0x71: {  	[sflag:s3] =	ssyncset.done $0x0  }
0x72: {  	[sflag:s3] =	ssyncadd.s32 $0xFFFF3000  }
0x73: {  	_ =	swait.ge [sflag:s11], $0xD000  }
0x74: {  	[sflag:s11] =	ssyncset.done $0x0  }
0x75: {  	[sflag:s11] =	ssyncadd.s32 $0xFFFF3000  }
0x76: {  	[tilespmem:s7], [sflag:$0x1] =	stream.indirect.gather [hbm4b:s5+s6], $0x20, s16, s6, $0xb8;
	[tilespmem:$0x1D400] =	vst v63  }
0x77: {  	_ = 	snop  }
0x78: {  	[hbm4b:s17+s2] =	stream.linear.scatter [tilespmem:s9], [sflag:$0x3], $0xD000, $0x38;
	[tilespmem:$0x1D400] =	vst v63  }
0x79: {  	_ =	swait.ge [sflag:s3], $0xD000  }
0x7a: {  	[sflag:s3] =	ssyncset.done $0x0  }
0x7b: {  	[sflag:s3] =	ssyncadd.s32 $0xFFFF3000  }
0x7c: {  	_ =	swait.ge [sflag:s8], $0xD000  }
0x7d: {  	[sflag:s8] =	ssyncset.done $0x0  }
0x7e: {  	[sflag:s8] =	ssyncadd.s32 $0xFFFF3000  }
0x7f: {  	[tilespmem:s9], [sflag:$0x2] =	stream.indirect.gather [hbm4b:s5+s6], $0x20, s18, s6, $0xb8;
	[tilespmem:$0x1D400] =	vst v63  }
0x80: {  	_ = 	snop  }
0x81: {  	[hbm4b:s19+s2] =	stream.linear.scatter [tilespmem:s7], [sflag:$0x3], $0xD000, $0x38;
	[tilespmem:$0x1D400] =	vst v63  }
0x82: {  	_ =	swait.ge [sflag:s3], $0xD000  }
0x83: {  	[sflag:s3] =	ssyncset.done $0x0  }
0x84: {  	[sflag:s3] =	ssyncadd.s32 $0xFFFF3000  }
0x85: {  	_ =	swait.ge [sflag:s11], $0xD000  }
0x86: {  	[sflag:s11] =	ssyncset.done $0x0  }
0x87: {  	[sflag:s11] =	ssyncadd.s32 $0xFFFF3000  }
0x88: {  	[tilespmem:s7], [sflag:$0x1] =	stream.indirect.gather [hbm4b:s5+s6], $0x20, s20, s6, $0xb8;
	[tilespmem:$0x1D400] =	vst v63  }
0x89: {  	_ = 	snop  }
0x8a: {  	[hbm4b:s21+s2] =	stream.linear.scatter [tilespmem:s9], [sflag:$0x3], $0xD000, $0x38;
	[tilespmem:$0x1D400] =	vst v63  }
0x8b: {  	_ =	swait.ge [sflag:s3], $0xD000  }
0x8c: {  	[sflag:s3] =	ssyncset.done $0x0  }
0x8d: {  	[sflag:s3] =	ssyncadd.s32 $0xFFFF3000  }
0x8e: {  	_ =	swait.ge [sflag:s8], $0xD000  }
0x8f: {  	[sflag:s8] =	ssyncset.done $0x0  }
0x90: {  	[sflag:s8] =	ssyncadd.s32 $0xFFFF3000  }
0x91: {  	[tilespmem:s9], [sflag:$0x2] =	stream.indirect.gather [hbm4b:s5+s6], $0x20, s22, s6, $0xb8;
	[tilespmem:$0x1D400] =	vst v63  }
0x92: {  	_ = 	snop  }
0x93: {  	[hbm4b:s23+s2] =	stream.linear.scatter [tilespmem:s7], [sflag:$0x3], $0xD000, $0x38;
	[tilespmem:$0x1D400] =	vst v63  }
0x94: {  	_ =	swait.ge [sflag:s3], $0xD000  }
0x95: {  	[sflag:s3] =	ssyncset.done $0x0  }
0x96: {  	[sflag:s3] =	ssyncadd.s32 $0xFFFF3000  }
0x97: {  	_ =	swait.ge [sflag:s11], $0xD000  }
.Ltmp1:
0x98: {  	[sflag:s11] =	ssyncset.done $0x0;
	(pc) =	sbr.rel @p0 .LBB2_1-.Ltmp1, $4  }
0x99: {  	[sflag:s11] =	ssyncadd.s32 $0xFFFF3000  }
0x9a: {  	[hbm4b:s24+s2] =	stream.linear.scatter [tilespmem:s9], [sflag:$0x3], $0xD000, $0x38;
	[tilespmem:$0x1D400] =	vst v63  }
0x9b: {  	_ =	swait.ge [sflag:s3], $0xD000  }
0x9c: {  	[sflag:s3] =	ssyncset.done $0x0  }
.LBB2_2:
0x9d: {  	[sflag:s3] =	ssyncadd.s32 $0xFFFF3000  }
0x9e: {  	_ =	sfence.sel $0x180000  }
0x9f: {  	[bflag:$0x0] =	sbarrier.arrive $0xFFFF  }
0xa0: {  	p0 =	sne.s32 s0, $0x0;
	_ =	strace $0x90000047  }
0xa1: {  	s0 =	sadd.s32 @!p0 $0x100000, s1;
	[bflag:$0x2] =	sbarrier.arrive $0xFFFF  }
0xa2: {  	[sflag:s0] =	ssyncadd.tile.s32 @!p0 $0x1;
	_ =	shalt  }
.Lfunc_end2:
_tile_overlayer_lowered:
.L_overlay_start_2:
0xa3: {  	(tag) =	ssettag $0x2  }
0xa4: {  	s0 =	rddreg [dreg:$0x0];
	s2 =	stileid.u32  }
0xa5: {  	s1 =	rddreg [dreg:$0x1];
	p0 =	sne.s32 s2, $0x0  }
0xa6: {  	s3 =	rddreg [dreg:$0x2];
	[bflag:$0x3] =	sbarrier.arrive $0xFFFF;
	s2 =	simm.s32 @!p0 $0x1C03  }
0xa7: {  	[timem:s3], [sflag:s2] =	dma.local @!p0 [hbm:s0], s1  }
0xa8: {  	s0 =	simm.s32 @!p0 $0x3  }
0xa9: {  	_ =	swait.ge @!p0 [sflag:s0], s1  }
0xaa: {  	s1 =	ssub.s32 @!p0 $0x0, s1;
	[sflag:s0] =	ssyncset.done @!p0 $0x0  }
0xab: {  	[sflag:s0] =	ssyncadd.s32 @!p0 s1  }
0xac: {  	[bflag:$0x3] =	sbarrier.arrive $0xFFFF  }
0xad: {  	_ =	shalt  }

</sc_bundles>
